<compile_context>
chip_gen: v7x
topology: tpu7x:2x2x1
jax: 0.10.2.dev20260603
libtpu: 0.0.44.dev20260713+nightly
codegen_flags: <defaults>
</compile_context>

<pallas_src>
import functools

import jax
import jax.numpy as jnp
from jax import lax
from jax.experimental import pallas as pl
from jax.experimental.pallas import tpu as pltpu
from jax.experimental.pallas import tpu_sc as plsc

VOCAB = 100000
DIM = 128
B_TOTAL = 4096 * 200
NUM_CORES = 2
NUM_SUBCORES = 16
NW = NUM_CORES * NUM_SUBCORES
PER_W = B_TOTAL // NW
CHUNK = 128
NCH = PER_W // CHUNK
NQ = NCH // 2
NSLOT = 6

_mesh = plsc.VectorSubcoreMesh(core_axis_name="c", subcore_axis_name="s")


@functools.partial(
    pl.kernel,
    mesh=_mesh,
    out_type=jax.ShapeDtypeStruct((B_TOTAL // CHUNK, CHUNK, DIM), jnp.float32),
    scratch_types=[
        pltpu.VMEM((NCH, CHUNK), jnp.int32),
        pltpu.VMEM((NSLOT, CHUNK, DIM), jnp.float32),
        pltpu.SemaphoreType.DMA,
        pltpu.SemaphoreType.DMA,
    ],
)
def _embed_sc(ids_hbm, table_hbm, out_hbm, idx_v, rows_v, gsem, osem):
    wid = lax.axis_index("s") * NUM_CORES + lax.axis_index("c")
    cbase = wid * NCH

    pltpu.sync_copy(ids_hbm.at[wid], idx_v)

    for c in range(4):
        pltpu.async_copy(table_hbm.at[idx_v.at[c]], rows_v.at[c], gsem)

    def advance(x):
        return jnp.where(x == NSLOT - 2, 0, x + 2)

    def body(q, carry):
        s, s2 = carry
        c = 2 * q

        pltpu.make_async_copy(table_hbm.at[idx_v.at[c]], rows_v.at[s], gsem).wait()
        pltpu.make_async_copy(
            table_hbm.at[idx_v.at[c + 1]], rows_v.at[s + 1], gsem
        ).wait()

        pltpu.async_copy(
            rows_v.at[pl.ds(s, 2)], out_hbm.at[pl.ds(cbase + c, 2)], osem
        )

        @pl.when(q >= 1)
        def _():
            pltpu.make_async_copy(
                rows_v.at[pl.ds(s2, 2)],
                out_hbm.at[pl.ds(cbase + c - 2, 2)],
                osem,
            ).wait()

        @pl.when(q + 2 < NQ)
        def _():
            pltpu.async_copy(table_hbm.at[idx_v.at[c + 4]], rows_v.at[s2], gsem)
            pltpu.async_copy(
                table_hbm.at[idx_v.at[c + 5]], rows_v.at[s2 + 1], gsem
            )

        return advance(s), advance(s2)

    lax.fori_loop(0, NQ, body, (jnp.int32(0), jnp.int32(4)))

    pltpu.make_async_copy(
        rows_v.at[pl.ds((2 * (NQ - 1)) % NSLOT, 2)],
        out_hbm.at[pl.ds(cbase + 2 * (NQ - 1), 2)],
        osem,
    ).wait()


def kernel(input_ids, weight):
    ids3d = input_ids.reshape(NW, NCH, CHUNK)
    out = _embed_sc(ids3d, weight)
    return out.reshape(input_ids.shape[0], input_ids.shape[1], DIM)

# --- scband reference (transcript-rebuilt; emitter-appended) ---
"""Pipeline reference for scband-llama4-token-embedding-9483287789691 (READ-ONLY COPY).

The authoritative reference and input builder live on the scoring server;
editing this copy changes nothing except your own understanding.
"""

import jax, jax.numpy as jnp
import numpy as np

VOCAB = 100000
DIM = 128
PAD = 0


def setup_inputs(seed: int = 0) -> dict:
    key = jax.random.key(seed)
    k_ids, k_w = jax.random.split(key)
    input_ids = jax.random.randint(k_ids, (4096, 200), 0, VOCAB, dtype=jnp.int32)
    weight = jax.random.normal(k_w, (VOCAB, DIM), dtype=jnp.float32)
    # nn.Embedding with padding_idx zeroes the pad row at init
    weight = weight.at[PAD].set(0.0)
    return {"input_ids": input_ids, "weight": weight}


def reference(input_ids, weight):
    # Faithful translation of nn.Embedding lookup: gather rows of the table
    return jnp.take(weight, input_ids, axis=0)

if __name__ == "__main__":
    import jax
    _d = setup_inputs()
    print(jax.jit(kernel)(*tuple(_d.values())))

</pallas_src>

<mosaic_0001>
#map = affine_map<(d0, d1) -> (0, 0, 0)>
#map1 = affine_map<(d0, d1) -> (0, 0)>
module attributes {stable_mosaic.version = 14 : i64} {
  func.func @_embed_sc(%arg0: i32, %arg1: i32, %arg2: memref<32x200x128xi32, #tpu.memory_space<hbm>>, %arg3: memref<100000x128xf32, #tpu.memory_space<hbm>>, %arg4: memref<6400x128x128xf32, #tpu.memory_space<hbm>>, %arg5: memref<200x128xi32, #tpu.memory_space<vmem>>, %arg6: memref<6x128x128xf32, #tpu.memory_space<vmem>>, %arg7: memref<!tpu.dma_semaphore, #tpu.memory_space<semaphore_mem>>, %arg8: memref<!tpu.dma_semaphore, #tpu.memory_space<semaphore_mem>>) attributes {dimension_semantics = [#tpu.dimension_semantics<core_parallel>, #tpu.dimension_semantics<subcore_parallel>], iteration_bounds = array<i64: 2, 16>, scalar_prefetch = 0 : i64, scratch_operands = 4 : i64, tpu.core_type = #tpu.core_type<sc_vector_subcore>, window_params = [{transform_indices = #map}, {transform_indices = #map1}, {transform_indices = #map}]} {
    %mul3A = arith.constant 2 : i32
    %mul3A_0 = arith.muli %arg1, %mul3A : i32
    %add3A = arith.addi %mul3A_0, %arg0 : i32
    %mul3A_1 = arith.constant 200 : i32
    %mul3A_2 = arith.muli %add3A, %mul3A_1 : i32
    "tpu.region"() ({
      %run_scoped3A = tpu.sem_alloc : memref<!tpu.dma_semaphore, #tpu.memory_space<semaphore_mem>>
      %dma_start3A_72 = arith.constant 0 : i32
      %dma_start3A_73 = arith.constant 0 : i32
      %dma_start3A_74 = tpu.memref_slice %arg2[%add3A, %dma_start3A_72, %dma_start3A_73] : memref<32x200x128xi32, #tpu.memory_space<hbm>> -> memref<1x200x128xi32, #tpu.memory_space<hbm>>
      %dma_start3A_75 = tpu.memref_squeeze %dma_start3A_74 : memref<1x200x128xi32, #tpu.memory_space<hbm>> -> memref<200x128xi32, #tpu.memory_space<hbm>>
      %dma_start3A_76 = arith.constant 0 : i32
      %dma_start3A_77 = arith.constant 0 : i32
      %dma_start3A_78 = tpu.memref_slice %arg2[%add3A, %dma_start3A_76, %dma_start3A_77] : memref<32x200x128xi32, #tpu.memory_space<hbm>> -> memref<1x200x128xi32, #tpu.memory_space<hbm>>
      %dma_start3A_79 = tpu.memref_squeeze %dma_start3A_78 : memref<1x200x128xi32, #tpu.memory_space<hbm>> -> memref<200x128xi32, #tpu.memory_space<hbm>>
      tpu.enqueue_dma source(%dma_start3A_79 : memref<200x128xi32, #tpu.memory_space<hbm>>) target(%arg5 : memref<200x128xi32, #tpu.memory_space<vmem>>) target_semaphore(%run_scoped3A : memref<!tpu.dma_semaphore, #tpu.memory_space<semaphore_mem>>)
      %dma_wait3A_80 = arith.constant 0 : i32
      %dma_wait3A_81 = arith.constant 0 : i32
      %dma_wait3A_82 = tpu.memref_slice %arg2[%add3A, %dma_wait3A_80, %dma_wait3A_81] : memref<32x200x128xi32, #tpu.memory_space<hbm>> -> memref<1x200x128xi32, #tpu.memory_space<hbm>>
      %dma_wait3A_83 = tpu.memref_squeeze %dma_wait3A_82 : memref<1x200x128xi32, #tpu.memory_space<hbm>> -> memref<200x128xi32, #tpu.memory_space<hbm>>
      %dma_wait3A_84 = arith.constant 0 : i32
      %dma_wait3A_85 = arith.constant 0 : i32
      %dma_wait3A_86 = tpu.memref_slice %arg2[%add3A, %dma_wait3A_84, %dma_wait3A_85] : memref<32x200x128xi32, #tpu.memory_space<hbm>> -> memref<1x200x128xi32, #tpu.memory_space<hbm>>
      %dma_wait3A_87 = tpu.memref_squeeze %dma_wait3A_86 : memref<1x200x128xi32, #tpu.memory_space<hbm>> -> memref<200x128xi32, #tpu.memory_space<hbm>>
      tpu.wait_dma2 semaphore(%run_scoped3A : memref<!tpu.dma_semaphore, #tpu.memory_space<semaphore_mem>>) src(%dma_wait3A_87 : memref<200x128xi32, #tpu.memory_space<hbm>>) dst(%arg5 : memref<200x128xi32, #tpu.memory_space<vmem>>)
      tpu.yield
    }) : () -> ()
    %dma_start3A = arith.constant 0 : i32
    %dma_start3A_3 = arith.constant 0 : i32
    %dma_start3A_4 = arith.constant 0 : i32
    %dma_start3A_5 = arith.constant 0 : i32
    %dma_start3A_6 = tpu.memref_slice %arg6[%dma_start3A_3, %dma_start3A_4, %dma_start3A_5] : memref<6x128x128xf32, #tpu.memory_space<vmem>> -> memref<1x128x128xf32, #tpu.memory_space<vmem>>
    %dma_start3A_7 = tpu.memref_squeeze %dma_start3A_6 : memref<1x128x128xf32, #tpu.memory_space<vmem>> -> memref<128x128xf32, #tpu.memory_space<vmem>>
    %dma_start3A_8 = arith.constant 0 : i32
    %dma_start3A_9 = tpu.memref_slice %arg5[%dma_start3A, %dma_start3A_8] : memref<200x128xi32, #tpu.memory_space<vmem>> -> memref<1x128xi32, #tpu.memory_space<vmem>>
    %dma_start3A_10 = tpu.memref_squeeze %dma_start3A_9 : memref<1x128xi32, #tpu.memory_space<vmem>> -> memref<128xi32, #tpu.memory_space<vmem>>
    %dma_start3A_11 = arith.constant 0 : i32
    %dma_start3A_12 = arith.constant 0 : i32
    %dma_start3A_13 = tpu.memref_slice %arg3[%dma_start3A_11, %dma_start3A_12] : memref<100000x128xf32, #tpu.memory_space<hbm>> -> memref<100000x128xf32, #tpu.memory_space<hbm>>
    tpu.enqueue_indirect_dma source(%dma_start3A_13 : memref<100000x128xf32, #tpu.memory_space<hbm>>) target(%dma_start3A_7 : memref<128x128xf32, #tpu.memory_space<vmem>>) offsets(%dma_start3A_10 : memref<128xi32, #tpu.memory_space<vmem>>) semaphore(%arg7 : memref<!tpu.dma_semaphore, #tpu.memory_space<semaphore_mem>>)
    %dma_start3A_14 = arith.constant 1 : i32
    %dma_start3A_15 = arith.constant 1 : i32
    %dma_start3A_16 = arith.constant 0 : i32
    %dma_start3A_17 = arith.constant 0 : i32
    %dma_start3A_18 = tpu.memref_slice %arg6[%dma_start3A_15, %dma_start3A_16, %dma_start3A_17] : memref<6x128x128xf32, #tpu.memory_space<vmem>> -> memref<1x128x128xf32, #tpu.memory_space<vmem>>
    %dma_start3A_19 = tpu.memref_squeeze %dma_start3A_18 : memref<1x128x128xf32, #tpu.memory_space<vmem>> -> memref<128x128xf32, #tpu.memory_space<vmem>>
    %dma_start3A_20 = arith.constant 0 : i32
    %dma_start3A_21 = tpu.memref_slice %arg5[%dma_start3A_14, %dma_start3A_20] : memref<200x128xi32, #tpu.memory_space<vmem>> -> memref<1x128xi32, #tpu.memory_space<vmem>>
    %dma_start3A_22 = tpu.memref_squeeze %dma_start3A_21 : memref<1x128xi32, #tpu.memory_space<vmem>> -> memref<128xi32, #tpu.memory_space<vmem>>
    %dma_start3A_23 = arith.constant 0 : i32
    %dma_start3A_24 = arith.constant 0 : i32
    %dma_start3A_25 = tpu.memref_slice %arg3[%dma_start3A_23, %dma_start3A_24] : memref<100000x128xf32, #tpu.memory_space<hbm>> -> memref<100000x128xf32, #tpu.memory_space<hbm>>
    tpu.enqueue_indirect_dma source(%dma_start3A_25 : memref<100000x128xf32, #tpu.memory_space<hbm>>) target(%dma_start3A_19 : memref<128x128xf32, #tpu.memory_space<vmem>>) offsets(%dma_start3A_22 : memref<128xi32, #tpu.memory_space<vmem>>) semaphore(%arg7 : memref<!tpu.dma_semaphore, #tpu.memory_space<semaphore_mem>>)
    %dma_start3A_26 = arith.constant 2 : i32
    %dma_start3A_27 = arith.constant 2 : i32
    %dma_start3A_28 = arith.constant 0 : i32
    %dma_start3A_29 = arith.constant 0 : i32
    %dma_start3A_30 = tpu.memref_slice %arg6[%dma_start3A_27, %dma_start3A_28, %dma_start3A_29] : memref<6x128x128xf32, #tpu.memory_space<vmem>> -> memref<1x128x128xf32, #tpu.memory_space<vmem>>
    %dma_start3A_31 = tpu.memref_squeeze %dma_start3A_30 : memref<1x128x128xf32, #tpu.memory_space<vmem>> -> memref<128x128xf32, #tpu.memory_space<vmem>>
    %dma_start3A_32 = arith.constant 0 : i32
    %dma_start3A_33 = tpu.memref_slice %arg5[%dma_start3A_26, %dma_start3A_32] : memref<200x128xi32, #tpu.memory_space<vmem>> -> memref<1x128xi32, #tpu.memory_space<vmem>>
    %dma_start3A_34 = tpu.memref_squeeze %dma_start3A_33 : memref<1x128xi32, #tpu.memory_space<vmem>> -> memref<128xi32, #tpu.memory_space<vmem>>
    %dma_start3A_35 = arith.constant 0 : i32
    %dma_start3A_36 = arith.constant 0 : i32
    %dma_start3A_37 = tpu.memref_slice %arg3[%dma_start3A_35, %dma_start3A_36] : memref<100000x128xf32, #tpu.memory_space<hbm>> -> memref<100000x128xf32, #tpu.memory_space<hbm>>
    tpu.enqueue_indirect_dma source(%dma_start3A_37 : memref<100000x128xf32, #tpu.memory_space<hbm>>) target(%dma_start3A_31 : memref<128x128xf32, #tpu.memory_space<vmem>>) offsets(%dma_start3A_34 : memref<128xi32, #tpu.memory_space<vmem>>) semaphore(%arg7 : memref<!tpu.dma_semaphore, #tpu.memory_space<semaphore_mem>>)
    %dma_start3A_38 = arith.constant 3 : i32
    %dma_start3A_39 = arith.constant 3 : i32
    %dma_start3A_40 = arith.constant 0 : i32
    %dma_start3A_41 = arith.constant 0 : i32
    %dma_start3A_42 = tpu.memref_slice %arg6[%dma_start3A_39, %dma_start3A_40, %dma_start3A_41] : memref<6x128x128xf32, #tpu.memory_space<vmem>> -> memref<1x128x128xf32, #tpu.memory_space<vmem>>
    %dma_start3A_43 = tpu.memref_squeeze %dma_start3A_42 : memref<1x128x128xf32, #tpu.memory_space<vmem>> -> memref<128x128xf32, #tpu.memory_space<vmem>>
    %dma_start3A_44 = arith.constant 0 : i32
    %dma_start3A_45 = tpu.memref_slice %arg5[%dma_start3A_38, %dma_start3A_44] : memref<200x128xi32, #tpu.memory_space<vmem>> -> memref<1x128xi32, #tpu.memory_space<vmem>>
    %dma_start3A_46 = tpu.memref_squeeze %dma_start3A_45 : memref<1x128xi32, #tpu.memory_space<vmem>> -> memref<128xi32, #tpu.memory_space<vmem>>
    %dma_start3A_47 = arith.constant 0 : i32
    %dma_start3A_48 = arith.constant 0 : i32
    %dma_start3A_49 = tpu.memref_slice %arg3[%dma_start3A_47, %dma_start3A_48] : memref<100000x128xf32, #tpu.memory_space<hbm>> -> memref<100000x128xf32, #tpu.memory_space<hbm>>
    tpu.enqueue_indirect_dma source(%dma_start3A_49 : memref<100000x128xf32, #tpu.memory_space<hbm>>) target(%dma_start3A_43 : memref<128x128xf32, #tpu.memory_space<vmem>>) offsets(%dma_start3A_46 : memref<128xi32, #tpu.memory_space<vmem>>) semaphore(%arg7 : memref<!tpu.dma_semaphore, #tpu.memory_space<semaphore_mem>>)
    %scan3A = arith.constant 0 : i32
    %scan3A_50 = arith.constant 4 : i32
    %scan3A_51 = arith.constant 0 : i32
    %scan3A_52 = arith.constant 100 : i32
    %scan3A_53 = arith.addi %scan3A_51, %scan3A_52 : i32
    %scan3A_54 = arith.constant 1 : i32
    %scan3A_55:2 = scf.for %scan3A_72 = %scan3A_51 to %scan3A_53 step %scan3A_54 iter_args(%scan3A_73 = %scan3A, %scan3A_74 = %scan3A_50) -> (i32, i32)  : i32 {
      %mul3A_75 = arith.constant 2 : i32
      %mul3A_76 = arith.muli %mul3A_75, %scan3A_72 : i32
      %dma_wait3A_77 = arith.constant 0 : i32
      %dma_wait3A_78 = arith.constant 0 : i32
      %dma_wait3A_79 = tpu.memref_slice %arg6[%scan3A_73, %dma_wait3A_77, %dma_wait3A_78] : memref<6x128x128xf32, #tpu.memory_space<vmem>> -> memref<1x128x128xf32, #tpu.memory_space<vmem>>
      %dma_wait3A_80 = tpu.memref_squeeze %dma_wait3A_79 : memref<1x128x128xf32, #tpu.memory_space<vmem>> -> memref<128x128xf32, #tpu.memory_space<vmem>>
      %dma_wait3A_81 = arith.constant 0 : i32
      %dma_wait3A_82 = tpu.memref_slice %arg5[%mul3A_76, %dma_wait3A_81] : memref<200x128xi32, #tpu.memory_space<vmem>> -> memref<1x128xi32, #tpu.memory_space<vmem>>
      %dma_wait3A_83 = tpu.memref_squeeze %dma_wait3A_82 : memref<1x128xi32, #tpu.memory_space<vmem>> -> memref<128xi32, #tpu.memory_space<vmem>>
      %dma_wait3A_84 = arith.constant 0 : i32
      %dma_wait3A_85 = arith.constant 0 : i32
      %dma_wait3A_86 = tpu.memref_slice %arg3[%dma_wait3A_84, %dma_wait3A_85] : memref<100000x128xf32, #tpu.memory_space<hbm>> -> memref<100000x128xf32, #tpu.memory_space<hbm>>
      tpu.wait_indirect_dma semaphore(%arg7 : memref<!tpu.dma_semaphore, #tpu.memory_space<semaphore_mem>>) src(%dma_wait3A_86 : memref<100000x128xf32, #tpu.memory_space<hbm>>) dst(%dma_wait3A_80 : memref<128x128xf32, #tpu.memory_space<vmem>>)
      %add3A_87 = arith.constant 1 : i32
      %add3A_88 = arith.addi %mul3A_76, %add3A_87 : i32
      %add3A_89 = arith.constant 1 : i32
      %add3A_90 = arith.addi %scan3A_73, %add3A_89 : i32
      %dma_wait3A_91 = arith.constant 0 : i32
      %dma_wait3A_92 = arith.constant 0 : i32
      %dma_wait3A_93 = tpu.memref_slice %arg6[%add3A_90, %dma_wait3A_91, %dma_wait3A_92] : memref<6x128x128xf32, #tpu.memory_space<vmem>> -> memref<1x128x128xf32, #tpu.memory_space<vmem>>
      %dma_wait3A_94 = tpu.memref_squeeze %dma_wait3A_93 : memref<1x128x128xf32, #tpu.memory_space<vmem>> -> memref<128x128xf32, #tpu.memory_space<vmem>>
      %dma_wait3A_95 = arith.constant 0 : i32
      %dma_wait3A_96 = tpu.memref_slice %arg5[%add3A_88, %dma_wait3A_95] : memref<200x128xi32, #tpu.memory_space<vmem>> -> memref<1x128xi32, #tpu.memory_space<vmem>>
      %dma_wait3A_97 = tpu.memref_squeeze %dma_wait3A_96 : memref<1x128xi32, #tpu.memory_space<vmem>> -> memref<128xi32, #tpu.memory_space<vmem>>
      %dma_wait3A_98 = arith.constant 0 : i32
      %dma_wait3A_99 = arith.constant 0 : i32
      %dma_wait3A_100 = tpu.memref_slice %arg3[%dma_wait3A_98, %dma_wait3A_99] : memref<100000x128xf32, #tpu.memory_space<hbm>> -> memref<100000x128xf32, #tpu.memory_space<hbm>>
      tpu.wait_indirect_dma semaphore(%arg7 : memref<!tpu.dma_semaphore, #tpu.memory_space<semaphore_mem>>) src(%dma_wait3A_100 : memref<100000x128xf32, #tpu.memory_space<hbm>>) dst(%dma_wait3A_94 : memref<128x128xf32, #tpu.memory_space<vmem>>)
      %add3A_101 = arith.addi %mul3A_2, %mul3A_76 : i32
      %dma_start3A_102 = arith.constant 0 : i32
      %dma_start3A_103 = arith.constant 0 : i32
      %dma_start3A_104 = tpu.memref_slice %arg6[%scan3A_73, %dma_start3A_102, %dma_start3A_103] : memref<6x128x128xf32, #tpu.memory_space<vmem>> -> memref<2x128x128xf32, #tpu.memory_space<vmem>>
      %dma_start3A_105 = arith.constant 0 : i32
      %dma_start3A_106 = arith.constant 0 : i32
      %dma_start3A_107 = tpu.memref_slice %arg4[%add3A_101, %dma_start3A_105, %dma_start3A_106] : memref<6400x128x128xf32, #tpu.memory_space<hbm>> -> memref<2x128x128xf32, #tpu.memory_space<hbm>>
      %dma_start3A_108 = arith.constant 0 : i32
      %dma_start3A_109 = arith.constant 0 : i32
      %dma_start3A_110 = tpu.memref_slice %arg4[%add3A_101, %dma_start3A_108, %dma_start3A_109] : memref<6400x128x128xf32, #tpu.memory_space<hbm>> -> memref<2x128x128xf32, #tpu.memory_space<hbm>>
      %dma_start3A_111 = arith.constant 0 : i32
      %dma_start3A_112 = arith.constant 0 : i32
      %dma_start3A_113 = tpu.memref_slice %arg6[%scan3A_73, %dma_start3A_111, %dma_start3A_112] : memref<6x128x128xf32, #tpu.memory_space<vmem>> -> memref<2x128x128xf32, #tpu.memory_space<vmem>>
      tpu.enqueue_dma source(%dma_start3A_113 : memref<2x128x128xf32, #tpu.memory_space<vmem>>) target(%dma_start3A_110 : memref<2x128x128xf32, #tpu.memory_space<hbm>>) target_semaphore(%arg8 : memref<!tpu.dma_semaphore, #tpu.memory_space<semaphore_mem>>)
      %ge3A = arith.constant 1 : i32
      %ge3A_114 = arith.cmpi sge, %scan3A_72, %ge3A : i32
      %convert_element_type3A = arith.extui %ge3A_114 : i1 to i32
      %cond3A = arith.constant 0 : i32
      %cond3A_115 = arith.cmpi ne, %convert_element_type3A, %cond3A : i32
      scf.if %cond3A_115 {
        %add3A_131 = arith.addi %mul3A_2, %mul3A_76 : i32
        %sub3A = arith.constant 2 : i32
        %sub3A_132 = arith.subi %add3A_131, %sub3A : i32
        %dma_wait3A_133 = arith.constant 0 : i32
        %dma_wait3A_134 = arith.constant 0 : i32
        %dma_wait3A_135 = tpu.memref_slice %arg6[%scan3A_74, %dma_wait3A_133, %dma_wait3A_134] : memref<6x128x128xf32, #tpu.memory_space<vmem>> -> memref<2x128x128xf32, #tpu.memory_space<vmem>>
        %dma_wait3A_136 = arith.constant 0 : i32
        %dma_wait3A_137 = arith.constant 0 : i32
        %dma_wait3A_138 = tpu.memref_slice %arg4[%sub3A_132, %dma_wait3A_136, %dma_wait3A_137] : memref<6400x128x128xf32, #tpu.memory_space<hbm>> -> memref<2x128x128xf32, #tpu.memory_space<hbm>>
        %dma_wait3A_139 = arith.constant 0 : i32
        %dma_wait3A_140 = arith.constant 0 : i32
        %dma_wait3A_141 = tpu.memref_slice %arg4[%sub3A_132, %dma_wait3A_139, %dma_wait3A_140] : memref<6400x128x128xf32, #tpu.memory_space<hbm>> -> memref<2x128x128xf32, #tpu.memory_space<hbm>>
        %dma_wait3A_142 = arith.constant 0 : i32
        %dma_wait3A_143 = arith.constant 0 : i32
        %dma_wait3A_144 = tpu.memref_slice %arg6[%scan3A_74, %dma_wait3A_142, %dma_wait3A_143] : memref<6x128x128xf32, #tpu.memory_space<vmem>> -> memref<2x128x128xf32, #tpu.memory_space<vmem>>
        tpu.wait_dma2 semaphore(%arg8 : memref<!tpu.dma_semaphore, #tpu.memory_space<semaphore_mem>>) src(%dma_wait3A_144 : memref<2x128x128xf32, #tpu.memory_space<vmem>>) dst(%dma_wait3A_141 : memref<2x128x128xf32, #tpu.memory_space<hbm>>)
      } else {
      }
      %add3A_116 = arith.constant 2 : i32
      %add3A_117 = arith.addi %scan3A_72, %add3A_116 : i32
      %lt3A = arith.constant 100 : i32
      %lt3A_118 = arith.cmpi slt, %add3A_117, %lt3A : i32
      %convert_element_type3A_119 = arith.extui %lt3A_118 : i1 to i32
      %cond3A_120 = arith.constant 0 : i32
      %cond3A_121 = arith.cmpi ne, %convert_element_type3A_119, %cond3A_120 : i32
      scf.if %cond3A_121 {
        %add3A_131 = arith.constant 4 : i32
        %add3A_132 = arith.addi %mul3A_76, %add3A_131 : i32
        %dma_start3A_133 = arith.constant 0 : i32
        %dma_start3A_134 = arith.constant 0 : i32
        %dma_start3A_135 = tpu.memref_slice %arg6[%scan3A_74, %dma_start3A_133, %dma_start3A_134] : memref<6x128x128xf32, #tpu.memory_space<vmem>> -> memref<1x128x128xf32, #tpu.memory_space<vmem>>
        %dma_start3A_136 = tpu.memref_squeeze %dma_start3A_135 : memref<1x128x128xf32, #tpu.memory_space<vmem>> -> memref<128x128xf32, #tpu.memory_space<vmem>>
        %dma_start3A_137 = arith.constant 0 : i32
        %dma_start3A_138 = tpu.memref_slice %arg5[%add3A_132, %dma_start3A_137] : memref<200x128xi32, #tpu.memory_space<vmem>> -> memref<1x128xi32, #tpu.memory_space<vmem>>
        %dma_start3A_139 = tpu.memref_squeeze %dma_start3A_138 : memref<1x128xi32, #tpu.memory_space<vmem>> -> memref<128xi32, #tpu.memory_space<vmem>>
        %dma_start3A_140 = arith.constant 0 : i32
        %dma_start3A_141 = arith.constant 0 : i32
        %dma_start3A_142 = tpu.memref_slice %arg3[%dma_start3A_140, %dma_start3A_141] : memref<100000x128xf32, #tpu.memory_space<hbm>> -> memref<100000x128xf32, #tpu.memory_space<hbm>>
        tpu.enqueue_indirect_dma source(%dma_start3A_142 : memref<100000x128xf32, #tpu.memory_space<hbm>>) target(%dma_start3A_136 : memref<128x128xf32, #tpu.memory_space<vmem>>) offsets(%dma_start3A_139 : memref<128xi32, #tpu.memory_space<vmem>>) semaphore(%arg7 : memref<!tpu.dma_semaphore, #tpu.memory_space<semaphore_mem>>)
        %add3A_143 = arith.constant 5 : i32
        %add3A_144 = arith.addi %mul3A_76, %add3A_143 : i32
        %add3A_145 = arith.constant 1 : i32
        %add3A_146 = arith.addi %scan3A_74, %add3A_145 : i32
        %dma_start3A_147 = arith.constant 0 : i32
        %dma_start3A_148 = arith.constant 0 : i32
        %dma_start3A_149 = tpu.memref_slice %arg6[%add3A_146, %dma_start3A_147, %dma_start3A_148] : memref<6x128x128xf32, #tpu.memory_space<vmem>> -> memref<1x128x128xf32, #tpu.memory_space<vmem>>
        %dma_start3A_150 = tpu.memref_squeeze %dma_start3A_149 : memref<1x128x128xf32, #tpu.memory_space<vmem>> -> memref<128x128xf32, #tpu.memory_space<vmem>>
        %dma_start3A_151 = arith.constant 0 : i32
        %dma_start3A_152 = tpu.memref_slice %arg5[%add3A_144, %dma_start3A_151] : memref<200x128xi32, #tpu.memory_space<vmem>> -> memref<1x128xi32, #tpu.memory_space<vmem>>
        %dma_start3A_153 = tpu.memref_squeeze %dma_start3A_152 : memref<1x128xi32, #tpu.memory_space<vmem>> -> memref<128xi32, #tpu.memory_space<vmem>>
        %dma_start3A_154 = arith.constant 0 : i32
        %dma_start3A_155 = arith.constant 0 : i32
        %dma_start3A_156 = tpu.memref_slice %arg3[%dma_start3A_154, %dma_start3A_155] : memref<100000x128xf32, #tpu.memory_space<hbm>> -> memref<100000x128xf32, #tpu.memory_space<hbm>>
        tpu.enqueue_indirect_dma source(%dma_start3A_156 : memref<100000x128xf32, #tpu.memory_space<hbm>>) target(%dma_start3A_150 : memref<128x128xf32, #tpu.memory_space<vmem>>) offsets(%dma_start3A_153 : memref<128xi32, #tpu.memory_space<vmem>>) semaphore(%arg7 : memref<!tpu.dma_semaphore, #tpu.memory_space<semaphore_mem>>)
      } else {
      }
      %eq3A = arith.constant 4 : i32
      %eq3A_122 = arith.cmpi eq, %scan3A_73, %eq3A : i32
      %add3A_123 = arith.constant 2 : i32
      %add3A_124 = arith.addi %scan3A_73, %add3A_123 : i32
      %jit3A = arith.constant 0 : i32
      %select_n3A = arith.select %eq3A_122, %jit3A, %add3A_124 : i32
      %eq3A_125 = arith.constant 4 : i32
      %eq3A_126 = arith.cmpi eq, %scan3A_74, %eq3A_125 : i32
      %add3A_127 = arith.constant 2 : i32
      %add3A_128 = arith.addi %scan3A_74, %add3A_127 : i32
      %jit3A_129 = arith.constant 0 : i32
      %select_n3A_130 = arith.select %eq3A_126, %jit3A_129, %add3A_128 : i32
      scf.yield %select_n3A, %select_n3A_130 : i32, i32
    }
    %scan3A_56 = arith.constant 100 : i32
    %add3A_57 = arith.constant 198 : i32
    %add3A_58 = arith.addi %mul3A_2, %add3A_57 : i32
    %dma_wait3A = arith.constant 0 : i32
    %dma_wait3A_59 = arith.constant 0 : i32
    %dma_wait3A_60 = arith.constant 0 : i32
    %dma_wait3A_61 = tpu.memref_slice %arg6[%dma_wait3A, %dma_wait3A_59, %dma_wait3A_60] : memref<6x128x128xf32, #tpu.memory_space<vmem>> -> memref<2x128x128xf32, #tpu.memory_space<vmem>>
    %dma_wait3A_62 = arith.constant 0 : i32
    %dma_wait3A_63 = arith.constant 0 : i32
    %dma_wait3A_64 = tpu.memref_slice %arg4[%add3A_58, %dma_wait3A_62, %dma_wait3A_63] : memref<6400x128x128xf32, #tpu.memory_space<hbm>> -> memref<2x128x128xf32, #tpu.memory_space<hbm>>
    %dma_wait3A_65 = arith.constant 0 : i32
    %dma_wait3A_66 = arith.constant 0 : i32
    %dma_wait3A_67 = tpu.memref_slice %arg4[%add3A_58, %dma_wait3A_65, %dma_wait3A_66] : memref<6400x128x128xf32, #tpu.memory_space<hbm>> -> memref<2x128x128xf32, #tpu.memory_space<hbm>>
    %dma_wait3A_68 = arith.constant 0 : i32
    %dma_wait3A_69 = arith.constant 0 : i32
    %dma_wait3A_70 = arith.constant 0 : i32
    %dma_wait3A_71 = tpu.memref_slice %arg6[%dma_wait3A_68, %dma_wait3A_69, %dma_wait3A_70] : memref<6x128x128xf32, #tpu.memory_space<vmem>> -> memref<2x128x128xf32, #tpu.memory_space<vmem>>
    tpu.wait_dma2 semaphore(%arg8 : memref<!tpu.dma_semaphore, #tpu.memory_space<semaphore_mem>>) src(%dma_wait3A_71 : memref<2x128x128xf32, #tpu.memory_space<vmem>>) dst(%dma_wait3A_67 : memref<2x128x128xf32, #tpu.memory_space<hbm>>)
    return
  }
}

</mosaic_0001>

<sc_bundles>
// kernel: kernel.3.cloned.1.call-start
scs
__scs_entry_jumppad:
0x0: {  	(pc) =	sbr.rel $0x88, $3  }
0x1: {  	(tag) =	ssettag $0x0;
	lr =	simm.s32 $0x1  }
0x2: {  	[smem:$0x3F9F] =	sst lr;
	_ =	strace $0xD0000000  }
0x3: {  	_ = 	snop  }
0x4: {  	_ = 	snop  }
0x5: {  	_ = 	snop  }
0x6: {  	_ = 	snop  }
0x7: {  	_ = 	snop  }
__scs_overlays_trampoline_lowered:
0x8: {  	[smem:$0x3FAE] =	sst s0  }
0x9: {  	[smem:$0x3FAF] =	sst s1  }
0xa: {  	[smem:$0x3FB0] =	sst s2  }
0xb: {  	[smem:$0x3FB1] =	sst s3  }
0xc: {  	[smem:$0x3FB2] =	sst s4  }
0xd: {  	[smem:$0x3FB3] =	sst s5  }
0xe: {  	[smem:$0x3FB4] =	sst s6  }
0xf: {  	[smem:$0x3FB5] =	sst s7  }
0x10: {  	[smem:$0x3FB6] =	sst s8  }
0x11: {  	[smem:$0x3FB7] =	sst s9;
	s0 =	simm.s32 @!p0 $0x0  }
0x12: {  	s1 =	sld [smem:$0x3F9D];
	s0 =	simm.s32 @p0 $0x1  }
0x13: {  	[smem:$0x3FB8] =	sst s0;
	s0 =	simm.s32 @!p1 $0x0  }
0x14: {  	s2 =	sld [smem:$0x3F9C];
	s0 =	simm.s32 @p1 $0x1  }
0x15: {  	[smem:$0x3FB9] =	sst s0;
	s0 =	simm.s32 @!p2 $0x0  }
0x16: {  	s3 =	sld [smem:$0x3FDB];
	s0 =	simm.s32 @p2 $0x1  }
0x17: {  	s4 =	simm.s32 $0x1BF5;
	[smem:$0x3FBB] =	sst s0  }
0x18: {  	s0 =	sld [smem:$0x3F9E];
	_ =	swait.ge [sflag:s4], $0x0  }
0x19: {  	s7 =	sld [smem:$0x3F9F]  }
0x1a: {  	s8 =	sadd.s32 $0xFFFFE003, lr  }
0x1b: {  	s9 =	sadd.s32 $0xFFFFFEF7, lr;
	s5 =	simm.s32 $0xFFFFFFFF;
	p2 =	slt.u32 s8, $0xFFFFF086  }
0x1c: {  	p1 =	slt.u32 s9, $0xF7A;
	s5 =	simm.s32 @!p2 $0x0  }
0x1d: {  	s5 =	simm.s32 @p1 $0x1;
	p0 =	seq.s32 s7, s2  }
0x1e: {  	s7 =	smul.u32 @!p0 $0xF7A, s2;
	p2 =	seq.s32 @!p0 s5, $0x0  }
0x1f: {  	s9 =	smul.u32 $0xF7A, s1;
	s8 =	simm.s32 @!p0 $0x1BF5;
	p2 =	por !p2, p0  }
0x20: {  	[sflag:s8] =	ssyncset.s32 @!p0 $0xFFFFF086;
	s6 =	sadd.s32 @!p0 s3, s7;
	s7 =	simm.s32 @!p0 $0x108  }
0x21: {  	s3 =	sadd.s32 s3, s9;
	s6 =	sadd.s32 @!p0 $0x88, s6;
	s7 =	simm.s32 @p2 $0x1082  }
0x22: {  	[simem:s7], [sflag:s8] =	dma.local @!p0 [hbm:s6], $0xF7A  }
0x23: {  	s9 =	sor.u32 $0xD0000000, s2;
	s6 =	simm.s32 $0x108;
	_ =	swait.ge @!p0 [sflag:s8], $0x0  }
0x24: {  	s3 =	sadd.s32 $0x88, s3;
	s6 =	simm.s32 @!p1 $0x1082;
	[sflag:s4] =	ssyncset.s32 $0xFFFFF086  }
0x25: {  	[simem:s6], [sflag:s4] =	dma.local [hbm:s3], $0xF7A  }
0x26: {  	[smem:$0x3F9F] =	sst s1;
	(tag) =	ssettag s2;
	_ =	strace s9  }
0x27: {  	s1 =	sld [smem:$0x3FAF]  }
0x28: {  	s2 =	sld [smem:$0x3FB0]  }
0x29: {  	s4 =	sld [smem:$0x3FB2]  }
0x2a: {  	p0 =	seq.s32 s5, $0x0;
	s5 =	sld [smem:$0x3FB3]  }
0x2b: {  	s6 =	sld [smem:$0x3FB4]  }
0x2c: {  	s7 =	sld [smem:$0x3FB5]  }
0x2d: {  	s3 =	simm.s32 $0x108;
	s8 =	sld [smem:$0x3FB6]  }
0x2e: {  	s3 =	simm.s32 @!p0 $0x1082;
	s9 =	sld [smem:$0x3FB7]  }
0x2f: {  	lr =	sadd.s32 s0, s3;
	s0 =	sld [smem:$0x3FAE]  }
0x30: {  	s3 =	sld [smem:$0x3FB1]  }
0x31: {  	[smem:$0x3FBA] =	sst s10  }
0x32: {  	s10 =	sld [smem:$0x3FB8];
	_ =	sdelay $0x3  }
0x33: {  	p0 =	seq.s32 s10, $0x1;
	s10 =	sld [smem:$0x3FBA];
	_ =	sdelay $0x3  }
0x34: {  	[smem:$0x3FBA] =	sst s10  }
0x35: {  	s10 =	sld [smem:$0x3FB9];
	_ =	sdelay $0x3  }
0x36: {  	p1 =	seq.s32 s10, $0x1;
	s10 =	sld [smem:$0x3FBA];
	_ =	sdelay $0x3  }
0x37: {  	[smem:$0x3FBA] =	sst s10  }
0x38: {  	s10 =	sld [smem:$0x3FBB]  }
0x39: {  	_ = 	snop;
	(pc) =	sbr.ind lr, $3  }
0x3a: {  	_ = 	snop  }
0x3b: {  	_ = 	snop  }
0x3c: {  	p2 =	seq.s32 s10, $0x1;
	s10 =	sld [smem:$0x3FBA]  }
0x3d: {  	_ =	shalt  }
0x3e: {  	_ =	shalt  }
0x3f: {  	_ =	shalt  }
0x40: {  	_ =	shalt  }
0x41: {  	_ =	shalt  }
0x42: {  	_ =	shalt  }
0x43: {  	_ =	shalt  }
0x44: {  	_ =	shalt  }
0x45: {  	_ =	shalt  }
0x46: {  	_ =	shalt  }
0x47: {  	_ =	shalt  }
0x48: {  	_ =	shalt  }
0x49: {  	_ =	shalt  }
0x4a: {  	_ =	shalt  }
0x4b: {  	_ =	shalt  }
0x4c: {  	_ =	shalt  }
0x4d: {  	_ =	shalt  }
0x4e: {  	_ =	shalt  }
0x4f: {  	_ =	shalt  }
0x50: {  	_ =	shalt  }
0x51: {  	_ =	shalt  }
0x52: {  	_ =	shalt  }
0x53: {  	_ =	shalt  }
0x54: {  	_ =	shalt  }
0x55: {  	_ =	shalt  }
0x56: {  	_ =	shalt  }
0x57: {  	_ =	shalt  }
0x58: {  	_ =	shalt  }
0x59: {  	_ =	shalt  }
0x5a: {  	_ =	shalt  }
0x5b: {  	_ =	shalt  }
0x5c: {  	_ =	shalt  }
0x5d: {  	_ =	shalt  }
0x5e: {  	_ =	shalt  }
0x5f: {  	_ =	shalt  }
0x60: {  	_ =	shalt  }
0x61: {  	_ =	shalt  }
0x62: {  	_ =	shalt  }
0x63: {  	_ =	shalt  }
0x64: {  	_ =	shalt  }
0x65: {  	_ =	shalt  }
0x66: {  	_ =	shalt  }
0x67: {  	_ =	shalt  }
0x68: {  	_ =	shalt  }
0x69: {  	_ =	shalt  }
0x6a: {  	_ =	shalt  }
0x6b: {  	_ =	shalt  }
0x6c: {  	_ =	shalt  }
0x6d: {  	_ =	shalt  }
0x6e: {  	_ =	shalt  }
0x6f: {  	_ =	shalt  }
0x70: {  	_ =	shalt  }
0x71: {  	_ =	shalt  }
0x72: {  	_ =	shalt  }
0x73: {  	_ =	shalt  }
0x74: {  	_ =	shalt  }
0x75: {  	_ =	shalt  }
0x76: {  	_ =	shalt  }
0x77: {  	_ =	shalt  }
0x78: {  	_ =	shalt  }
0x79: {  	_ =	shalt  }
0x7a: {  	_ =	shalt  }
0x7b: {  	_ =	shalt  }
0x7c: {  	_ =	shalt  }
0x7d: {  	_ =	shalt  }
0x7e: {  	_ =	shalt  }
0x7f: {  	_ =	shalt  }
0x80: {  	_ =	shalt  }
0x81: {  	_ =	shalt  }
0x82: {  	_ =	shalt  }
0x83: {  	_ =	shalt  }
0x84: {  	_ =	shalt  }
0x85: {  	_ =	shalt  }
0x86: {  	_ =	shalt  }
0x87: {  	_ =	shalt  }
.Lfunc_end0:
.L_simem_size_0:
called_computation_lowered:
.L_overlay_start_0:
0x88: {  	s2 =	sld [smem:$0x3FD9]  }
0x89: {  	s3 =	sld [smem:$0x3FFE];
	_ =	sdelay $0x1  }
0x8a: {  	s1 =	srdreg.scid  }
0x8b: {  	s0 =	sand.u32 $0x1, s1  }
0x8c: {  	s17 =	sshll.u32 s0, $0xA;
	s2 =	sadd.s32 s3, s2  }
0x8d: {  	s2 =	sadd.s32 s2, s17  }
0x8e: {  	[smem:$0x3FC6] =	sst s2  }
0x8f: {  	_ = 	snop  }
0x90: {  	s2 =	sld [smem:$0x3FC8]  }
0x91: {  	s18 =	sld [smem:$0x3FD0];
	(tm) =	ssettm $0x1  }
0x92: {  	s4 =	sld [smem:$0x3FFB];
	_ =	sdelay $0x3  }
0x93: {  	_ =	strace s4  }
0x94: {  	s4 =	sld [smem:$0x3FFC];
	_ =	sdelay $0x3  }
0x95: {  	_ =	strace s4  }
0x96: {  	s4 =	sld [smem:$0x3FFD];
	_ =	sdelay $0x3  }
0x97: {  	_ =	strace s4  }
0x98: {  	_ =	strace $0x8FFFFFFF  }
0x99: {  	s19 =	sld [smem:$0x3FDB];
	_ =	sdelay $0x1  }
0x9a: {  	s5 =	simm.s32 $_scs_section_size  }
0x9b: {  	s6 =	simm.s32 $_size__tile_overlayer_lowered;
	s7 =	simm.s32 $_tile_overlayer_lowered  }
0x9c: {  	s22 =	simm.s32 $0x1BFF;
	s21 =	sshll.u32 s7, $0x1;
	s4 =	sadd.s32 s5, s19  }
0x9d: {  	s8 =	simm.s32 $0x0;
	s20 =	sshll.u32 s6, $0x1;
	s6 =	sadd.s32 s21, s4  }
0x9e: {  	[timem:s8], [sflag:s22] =	dma.local [hbm:s6], s20  }
0x9f: {  	_ =	swait.ge [sflag:s22], s20  }
0xa0: {  	s5 =	ssub.s32 $0x0, s20;
	[sflag:s22] =	ssyncset.done $0x0  }
0xa1: {  	[sflag:s22] =	ssyncadd.s32 s5;
	_ =	sdelay $0x1  }
0xa2: {  	s23 =	simm.s32 $0x1B8B  }
0xa3: {  	_ =	swait.ge [sflag:s23], $0x1  }
0xa4: {  	[sflag:s23] =	ssyncset.done $0x0  }
0xa5: {  	s25 =	simm.s32 $0x1B8E;
	s24 =	sld [smem:$0x3FFE];
	[sflag:s23] =	ssyncadd.s32 $0xFFFFFFFF  }
0xa6: {  	s26 =	simm.s32 $execute0_lowered;
	[smem:$0x3FD2] =	sst s25  }
0xa7: {  	s6 =	sshll.u32 s26, $0x1;
	_ =	strace $0x80000046;
	[dreg:$0x1] =	wrdreg $0xFFFFFFFF  }
0xa8: {  	s28 =	simm.s32 $_size_execute0_lowered;
	s4 =	sadd.s32 s4, s6;
	[dreg:$0x0] =	wrdreg $0x0  }
0xa9: {  	s6 =	sshll.u32 s28, $0x1;
	[dreg:$0x2] =	wrdreg s4  }
0xaa: {  	[dreg:$0x3] =	wrdreg s6  }
0xab: {  	[dreg:$0x4] =	wrdreg $0xC0  }
0xac: {  	_ =	task [dreg:s8], $0x5FFFF  }
0xad: {  	[dreg:$0x1] =	wrdreg $0xFFFFFFFF  }
0xae: {  	[dreg:$0x0] =	wrdreg $0x60  }
0xaf: {  	[dreg:$0x2] =	wrdreg s24  }
0xb0: {  	[dreg:$0x3] =	wrdreg s2  }
0xb1: {  	[dreg:$0x4] =	wrdreg s18  }
0xb2: {  	[dreg:$0x5] =	wrdreg $0x9  }
0xb3: {  	_ =	task.clear_ibuf [dreg:s8], $0x6FFFF;
	_ =	strace $0x90000046  }
0xb4: {  	s29 =	simm.s32 $0x9;
	_ =	strace $0x80000048  }
0xb5: {  	_ =	swait.ge [sflag:s29], $0x1  }
0xb6: {  	[sflag:s29] =	ssyncadd.s32 $0xFFFFFFFF  }
0xb7: {  	_ =	strace $0x90000048  }
0xb8: {  	_ =	sfence  }
0xb9: {  	s30 =	sld [smem:$0x0];
	_ =	sdelay $0x2  }
0xba: {  	s31 =	sshll.u32 s1, $0xD;
	s1 =	sshrl.u32 s1, $0x2  }
0xbb: {  	s3 =	sand.u32 $0x4000, s31;
	s1 =	sadd.s32 s1, s30  }
0xbc: {  	s0 =	sor.u32 s3, s0;
	s1 =	sshll.u32 s1, $0x11  }
0xbd: {  	s0 =	sor.u32 s1, s0  }
0xbe: {  	s0 =	sadd.s32 $0x8F2B, s0  }
0xbf: {  	[sflag:s0] =	ssyncadd.remote.s32 $0x1  }
0xc0: {  	_ =	sfence.sel $0xFFFF  }
0xc1: {  	[dreg:$0x0] =	wrdreg $0xFFFFFFFF;
	(pc) =	sbr.abs _section_cstart, $3  }
0xc2: {  	[dreg:$0x1] =	wrdreg $0xFFFFFFFF  }
0xc3: {  	_ =	task.clear_ibuf [dreg:s8], $0x2FFFF;
	_ =	strace $0x9FFFFFFF  }
0xc4: {  	(tm) =	ssettm $0x7FFFFFFF  }
0xc5: {  	_ =	shalt  }
tec
execute0_lowered:
.L_overlay_start_1:
0x0: {  	(tag) =	ssettag $0x1  }
0x1: {  	s4 =	rddreg [dreg:$0x0]  }
0x2: {  	s2 =	rddreg [dreg:$0x1];
	s1 =	srdreg.scid  }
0x3: {  	s0 =	stileid.u32;
	s5 =	rddreg [dreg:$0x2]  }
0x4: {  	s3 =	simm.s32 $0x0;
	s13 =	simm.s32 $0xE400;
	s14 =	simm.s32 $0x180  }
0x5: {  	s15 =	simm.s32 $0x12400;
	s16 =	simm.s32 $0x200;
	s17 =	simm.s32 $0x16400  }
0x6: {  	s18 =	simm.s32 $0x280;
	s19 =	simm.s32 $0x1A400;
	s20 =	simm.s32 $0x1  }
0x7: {  	s6 =	sand.u32 $0x1, s1;
	s7 =	sshll.u32 s0, $0x1;
	s9 =	smul.u32 $0xC8000, s0  }
0x8: {  	s7 =	sor.u32 s6, s7;
	s31 =	ssub.s32 $0x2, s6;
	s6 =	smul.u32 $0x64000, s6  }
0x9: {  	s21 =	simm.s32 $0x2;
	s22 =	simm.s32 $0x0;
	s8 =	smul.u32 $0xC80, s7  }
0xa: {  	[smem:$0x7FF] =	sst s3;
	s7 =	smul.u32 $0x64000, s7;
	s9 =	sadd.s32 s9, s5  }
0xb: {  	_ =	strace $0x80000047;
	s10 =	sshrl.u32 s31, $0x1;
	s9 =	sadd.s32 s6, s9  }
0xc: {  	s4 =	sadd.s32 s8, s4;
	s8 =	ssub.s32 s31, s10;
	s5 =	sadd.s32 s5, s7  }
0xd: {  	s7 =	sadd.s32 $0x1000, s9;
	s9 =	simm.s32 $0x80;
	s10 =	simm.s32 $0x6400  }
0xe: {  	s4 =	sadd.s32 $0x400, s4;
	s6 =	smax.u32 s8, $0x1;
	s8 =	simm.s32 $0x3  }
.LBB2_1:
0xf: {  	[tilespmem:s3], [sflag:$0x3] =	stream.linear.gather [hbm4b:s4+s3], $0x6400, $0x38;
	[tilespmem:$0x1E400] =	vst v63  }
0x10: {  	_ =	swait.ge [sflag:s8], $0x6400  }
0x11: {  	[sflag:s8] =	ssyncset.done $0x0  }
0x12: {  	[sflag:s8] =	ssyncadd.s32 $0xFFFF9C00  }
0x13: {  	[tilespmem:s10], [sflag:$0x1] =	stream.indirect.gather [hbm4b:s2+s9], $0x80, s3, s9, $0xb8;
	[tilespmem:$0x1E400] =	vst v63  }
0x14: {  	s0 =	simm.s32 $0xA400  }
0x15: {  	[tilespmem:s0], [sflag:$0x1] =	stream.indirect.gather [hbm4b:s2+s9], $0x80, s9, s9, $0xb8;
	[tilespmem:$0x1E400] =	vst v63  }
0x16: {  	s26 =	simm.s32 $0x100  }
0x17: {  	[tilespmem:s13], [sflag:$0x1] =	stream.indirect.gather [hbm4b:s2+s9], $0x80, s26, s9, $0xb8;
	[tilespmem:$0x1E400] =	vst v63  }
0x18: {  	_ = 	snop  }
0x19: {  	[tilespmem:s15], [sflag:$0x1] =	stream.indirect.gather [hbm4b:s2+s9], $0x80, s14, s9, $0xb8;
	[tilespmem:$0x1E400] =	vst v63  }
0x1a: {  	_ =	swait.ge [sflag:s20], $0x4000  }
0x1b: {  	[sflag:s20] =	ssyncset.done $0x0  }
0x1c: {  	[sflag:s20] =	ssyncadd.s32 $0xFFFFC000  }
0x1d: {  	_ =	swait.ge [sflag:s20], $0x4000  }
0x1e: {  	[sflag:s20] =	ssyncset.done $0x0  }
0x1f: {  	[sflag:s20] =	ssyncadd.s32 $0xFFFFC000  }
0x20: {  	[hbm4b:s5+s3] =	stream.linear.scatter [tilespmem:s10], [sflag:$0x2], $0x8000, $0x38;
	[tilespmem:$0x1E400] =	vst v63  }
0x21: {  	_ = 	snop  }
0x22: {  	[tilespmem:s17], [sflag:$0x1] =	stream.indirect.gather [hbm4b:s2+s9], $0x80, s16, s9, $0xb8;
	[tilespmem:$0x1E400] =	vst v63  }
0x23: {  	_ = 	snop  }
0x24: {  	[tilespmem:s19], [sflag:$0x1] =	stream.indirect.gather [hbm4b:s2+s9], $0x80, s18, s9, $0xb8;
	[tilespmem:$0x1E400] =	vst v63  }
0x25: {  	_ =	swait.ge [sflag:s20], $0x4000  }
0x26: {  	[sflag:s20] =	ssyncset.done $0x0  }
0x27: {  	[sflag:s20] =	ssyncadd.s32 $0xFFFFC000  }
0x28: {  	s23 =	simm.s32 $0x380;
	_ =	swait.ge [sflag:s20], $0x4000  }
0x29: {  	s24 =	simm.s32 $0xE400;
	p0 =	por $0x0, $0x0;
	[sflag:s20] =	ssyncset.done $0x0  }
0x2a: {  	s25 =	simm.s32 $0x480;
	s29 =	simm.s32 $0x2;
	[sflag:s20] =	ssyncadd.s32 $0xFFFFC000  }
0x2b: {  	[hbm4b:s7+s3] =	stream.linear.scatter [tilespmem:s24], [sflag:$0x2], $0x8000, $0x38;
	[tilespmem:$0x1E400] =	vst v63  }
0x2c: {  	p2 =	por $0x0, $0x0;
	p3 =	por $0x0, $0x0;
	_ =	swait.ge [sflag:s21], $0x8000  }
0x2d: {  	s30 =	simm.s32 @!p0 $0x80;
	s28 =	simm.s32 @!p0 $0x300;
	[sflag:s21] =	ssyncset.done $0x0  }
0x2e: {  	s31 =	simm.s32 @!p0 $0xA400;
	s26 =	simm.s32 @!p0 $0x6400;
	[sflag:s21] =	ssyncadd.s32 $0xFFFF8000  }
0x2f: {  	[tilespmem:s26], [sflag:$0x1] =	stream.indirect.gather @!p0 [hbm4b:s2+s30], $0x80, s28, s30, $0xb8;
	[tilespmem:$0x1E400] =	vst v63  }
0x30: {  	s24 =	simm.s32 $0x2;
	s26 =	sadd.s32 $0x1000, s7;
	s28 =	simm.s32 $0x4  }
.LBB2_2:
0x31: {  	s28 =	simm.s32 @p2 $0x0;
	s29 =	simm.s32 @p3 $0x0  }
0x32: {  	s1 =	smov.u32 s24;
	s24 =	sadd.s32 $0x1, s24;
	s0 =	smov.u32 s26  }
0x33: {  	[tilespmem:s31], [sflag:$0x1] =	stream.indirect.gather @!p0 [hbm4b:s2+s30], $0x80, s23, s30, $0xb8;
	[tilespmem:$0x1E400] =	vst v63  }
0x34: {  	p1 =	sne.s32 s24, $0x64;
	s23 =	smov.u32 s25;
	_ =	swait.ge [sflag:s20], $0x4000  }
0x35: {  	s26 =	sadd.s32 $0x1000, s26;
	s25 =	sadd.s32 $0x100, s25;
	[sflag:s20] =	ssyncset.done $0x0  }
0x36: {  	s30 =	sshll.u32 s28, $0x10;
	s11 =	sadd.s32 $0x2, s28;
	[sflag:s20] =	ssyncadd.s32 $0xFFFFC000  }
0x37: {  	p0 =	sgt.u32 s1, $0x61;
	s1 =	sadd.s32 $0x2, s29;
	_ =	swait.ge [sflag:s20], $0x4000  }
0x38: {  	p2 =	seq.s32 s28, $0x4;
	s30 =	sshra.s32 s30, $0x2;
	[sflag:s20] =	ssyncset.done $0x0  }
0x39: {  	p3 =	seq.s32 s29, $0x4;
	s30 =	sadd.s32 $0x6400, s30;
	[sflag:s20] =	ssyncadd.s32 $0xFFFFC000  }
0x3a: {  	[hbm4b:s0+s3] =	stream.linear.scatter [tilespmem:s30], [sflag:$0x2], $0x8000, $0x38;
	[tilespmem:$0x1E400] =	vst v63  }
.Ltmp0:
0x3b: {  	s0 =	sshll.u32 @!p0 s29, $0x10;
	_ =	swait.ge [sflag:s21], $0x8000;
	(pc) =	sbr.rel @p1 .LBB2_2-.Ltmp0, $4  }
0x3c: {  	s30 =	simm.s32 @!p0 $0x80;
	s0 =	sshra.s32 @!p0 s0, $0x2;
	[sflag:s21] =	ssyncset.done $0x0  }
0x3d: {  	s12 =	sadd.s32 @!p0 $0xFFFFFF80, s23;
	s31 =	sadd.s32 @!p0 $0x6400, s0;
	[sflag:s21] =	ssyncadd.s32 $0xFFFF8000  }
0x3e: {  	[tilespmem:s31], [sflag:$0x1] =	stream.indirect.gather @!p0 [hbm4b:s2+s30], $0x80, s12, s30, $0xb8;
	[tilespmem:$0x1E400] =	vst v63  }
0x3f: {  	s28 =	smov.u32 s11;
	s29 =	smov.u32 s1;
	s31 =	sadd.s32 @!p0 $0xA400, s0  }
0x40: {  	[tilespmem:s31], [sflag:$0x1] =	stream.indirect.gather @!p0 [hbm4b:s2+s30], $0x80, s23, s30, $0xb8;
	[tilespmem:$0x1E400] =	vst v63  }
0x41: {  	s22 =	sadd.s32 $0x1, s22  }
0x42: {  	p0 =	sne.s32 s22, s6  }
.Ltmp1:
0x43: {  	_ = 	snop;
	(pc) =	sbr.rel @p0 .LBB2_1-.Ltmp1, $4  }
0x44: {  	_ = 	snop  }
0x45: {  	_ =	swait.ge [sflag:s21], $0x8000  }
0x46: {  	[sflag:s21] =	ssyncset.done $0x0  }
0x47: {  	[sflag:s21] =	ssyncadd.s32 $0xFFFF8000  }
0x48: {  	_ =	sfence.sel $0x180000  }
0x49: {  	[bflag:$0x0] =	sbarrier.arrive $0xFFFF  }
0x4a: {  	_ =	strace $0x90000047  }
0x4b: {  	s0 =	stileid.u32;
	[bflag:$0x2] =	sbarrier.arrive $0xFFFF  }
0x4c: {  	p0 =	sne.s32 s0, $0x0;
	s0 =	rddreg [dreg:$0x3]  }
0x4d: {  	s0 =	sadd.s32 @!p0 $0x100000, s0  }
0x4e: {  	[sflag:s0] =	ssyncadd.tile.s32 @!p0 $0x1;
	_ =	shalt  }
.Lfunc_end2:
_tile_overlayer_lowered:
.L_overlay_start_2:
0x4f: {  	(tag) =	ssettag $0x2  }
0x50: {  	s0 =	rddreg [dreg:$0x0];
	s2 =	stileid.u32  }
0x51: {  	s1 =	rddreg [dreg:$0x1];
	p0 =	sne.s32 s2, $0x0  }
0x52: {  	s3 =	rddreg [dreg:$0x2];
	[bflag:$0x3] =	sbarrier.arrive $0xFFFF;
	s2 =	simm.s32 @!p0 $0x1C03  }
0x53: {  	[timem:s3], [sflag:s2] =	dma.local @!p0 [hbm:s0], s1  }
0x54: {  	s0 =	simm.s32 @!p0 $0x3  }
0x55: {  	_ =	swait.ge @!p0 [sflag:s0], s1  }
0x56: {  	s1 =	ssub.s32 @!p0 $0x0, s1;
	[sflag:s0] =	ssyncset.done @!p0 $0x0  }
0x57: {  	[sflag:s0] =	ssyncadd.s32 @!p0 s1  }
0x58: {  	[bflag:$0x3] =	sbarrier.arrive $0xFFFF  }
0x59: {  	_ =	shalt  }

</sc_bundles>
